<compile_context>
chip_gen: v7x
topology: tpu7x:2x2x1
jax: 0.10.2.dev20260603
libtpu: 0.0.44.dev20260713+nightly
codegen_flags: <defaults>
</compile_context>

<pallas_src>
import functools

import jax
import jax.numpy as jnp
from jax import lax
from jax.experimental import pallas as pl
from jax.experimental.pallas import tpu as pltpu
from jax.experimental.pallas import tpu_sc as plsc

N = 10000
E = 320000
IN_DIM = 128
HID_DIM = 256
OUT_DIM = 128

NC = 2
NS = 16
NW = NC * NS

K = 128
CH = 80
EPT = CH * K
EPAD = NW * EPT
NPAD = 10240
DUMMY = NPAD - 1
RPT = NPAD // NS

BLK = 1000
GRID = N // BLK

_mesh = plsc.VectorSubcoreMesh(
    core_axis_name="c", subcore_axis_name="s", num_cores=NC, num_subcores=NS
)


def _deg_body(dst_hbm, ones_hbm, out_hbm, idx_v, ones_v, acc_sh):
    c = lax.axis_index("c")
    s = lax.axis_index("s")
    wid = c * NS + s
    pltpu.sync_copy(dst_hbm.at[wid], idx_v)
    pltpu.sync_copy(ones_hbm, ones_v)

    def zero_step(j, carry):
        pltpu.sync_copy(ones_v.at[pl.ds(0, 128)], acc_sh.at[pl.ds(s * RPT + j * 128, 128)])
        return carry

    lax.fori_loop(0, RPT // 128, zero_step, 0)
    plsc.subcore_barrier()

    def step(j, carry):
        pltpu.sync_copy(ones_v.at[pl.ds(128, K)], acc_sh.at[idx_v.at[j]], add=True)
        return carry

    lax.fori_loop(0, CH, step, 0)
    plsc.subcore_barrier()
    pltpu.sync_copy(acc_sh.at[pl.ds(s * RPT, RPT)], out_hbm.at[c, pl.ds(s * RPT, RPT)])


@functools.partial(jax.jit)
def _deg_call(dst_p, ones16):
    return pl.kernel(
        _deg_body,
        out_type=jax.ShapeDtypeStruct((NC, NPAD, 16), jnp.float32),
        mesh=_mesh,
        scratch_types=[
            pltpu.VMEM((CH, K), jnp.int32),
            pltpu.VMEM((128 + K, 16), jnp.float32),
            pltpu.VMEM_SHARED((NPAD, 16), jnp.float32),
        ],
    )(dst_p, ones16)


def _agg_body(xs_hbm, src_hbm, dst_hbm, zeros_hbm, out_hbm,
              sidx_v, didx_v, rows_v, acc_sh):
    c = lax.axis_index("c")
    s = lax.axis_index("s")
    wid = c * NS + s
    pltpu.sync_copy(src_hbm.at[wid], sidx_v)
    pltpu.sync_copy(dst_hbm.at[wid], didx_v)
    pltpu.sync_copy(zeros_hbm, rows_v)

    def zero_step(j, carry):
        pltpu.sync_copy(rows_v, acc_sh.at[pl.ds(s * RPT + j * 128, 128)])
        return carry

    lax.fori_loop(0, RPT // 128, zero_step, 0)
    plsc.subcore_barrier()

    def step(j, carry):
        pltpu.sync_copy(xs_hbm.at[sidx_v.at[j]], rows_v)
        pltpu.sync_copy(rows_v, acc_sh.at[didx_v.at[j]], add=True)
        return carry

    lax.fori_loop(0, CH, step, 0)
    plsc.subcore_barrier()
    pltpu.sync_copy(acc_sh.at[pl.ds(s * RPT, RPT)], out_hbm.at[c, pl.ds(s * RPT, RPT)])


@functools.partial(jax.jit)
def _agg_call(xs, src_p, dst_p, zeros128):
    return pl.kernel(
        _agg_body,
        out_type=jax.ShapeDtypeStruct((NC, NPAD, IN_DIM), jnp.float32),
        mesh=_mesh,
        scratch_types=[
            pltpu.VMEM((CH, K), jnp.int32),
            pltpu.VMEM((CH, K), jnp.int32),
            pltpu.VMEM((K, IN_DIM), jnp.float32),
            pltpu.VMEM_SHARED((NPAD, IN_DIM), jnp.float32),
        ],
    )(xs, src_p, dst_p, zeros128)


def _dinv_deg(dh_ref):
    deg = dh_ref[0, :, 0:1] + dh_ref[1, :, 0:1] + 1.0
    return lax.rsqrt(deg), deg


def _prep_body(x_ref, dh_ref, xs_ref):
    dinv, _ = _dinv_deg(dh_ref)
    xs_ref[...] = x_ref[...] * dinv


@jax.jit
def _prep_call(x, degh):
    return pl.pallas_call(
        _prep_body,
        grid=(GRID,),
        in_specs=[
            pl.BlockSpec((BLK, IN_DIM), lambda i: (i, 0)),
            pl.BlockSpec((NC, BLK, 16), lambda i: (0, i, 0)),
        ],
        out_specs=pl.BlockSpec((BLK, IN_DIM), lambda i: (i, 0)),
        out_shape=jax.ShapeDtypeStruct((N, IN_DIM), jnp.float32),
    )(x, degh)


def _mid_body(agg_ref, x_ref, dh_ref, w1_ref, b1_ref, w2_ref, ys_ref, y2_ref):
    dinv, deg = _dinv_deg(dh_ref)
    a = agg_ref[0] + agg_ref[1]
    z = a * dinv + x_ref[...] / deg
    h = jnp.dot(z, w1_ref[...], preferred_element_type=jnp.float32) + b1_ref[...]
    h = jnp.maximum(h, 0.0)
    y2 = jnp.dot(h, w2_ref[...], preferred_element_type=jnp.float32)
    y2_ref[...] = y2
    ys_ref[...] = y2 * dinv


@jax.jit
def _mid_call(agg1, x, degh, W1, b1r, W2):
    return pl.pallas_call(
        _mid_body,
        grid=(GRID,),
        in_specs=[
            pl.BlockSpec((NC, BLK, IN_DIM), lambda i: (0, i, 0)),
            pl.BlockSpec((BLK, IN_DIM), lambda i: (i, 0)),
            pl.BlockSpec((NC, BLK, 16), lambda i: (0, i, 0)),
            pl.BlockSpec((IN_DIM, HID_DIM), lambda i: (0, 0)),
            pl.BlockSpec((1, HID_DIM), lambda i: (0, 0)),
            pl.BlockSpec((HID_DIM, OUT_DIM), lambda i: (0, 0)),
        ],
        out_specs=[
            pl.BlockSpec((BLK, OUT_DIM), lambda i: (i, 0)),
            pl.BlockSpec((BLK, OUT_DIM), lambda i: (i, 0)),
        ],
        out_shape=[
            jax.ShapeDtypeStruct((N, OUT_DIM), jnp.float32),
            jax.ShapeDtypeStruct((N, OUT_DIM), jnp.float32),
        ],
    )(agg1, x, degh, W1, b1r, W2)


def _final_body(agg_ref, y2_ref, dh_ref, b2_ref, out_ref):
    dinv, deg = _dinv_deg(dh_ref)
    a = agg_ref[0] + agg_ref[1]
    out_ref[...] = a * dinv + y2_ref[...] / deg + b2_ref[...]


@jax.jit
def _final_call(agg2, y2, degh, b2r):
    return pl.pallas_call(
        _final_body,
        grid=(GRID,),
        in_specs=[
            pl.BlockSpec((NC, BLK, OUT_DIM), lambda i: (0, i, 0)),
            pl.BlockSpec((BLK, OUT_DIM), lambda i: (i, 0)),
            pl.BlockSpec((NC, BLK, 16), lambda i: (0, i, 0)),
            pl.BlockSpec((1, OUT_DIM), lambda i: (0, 0)),
        ],
        out_specs=pl.BlockSpec((BLK, OUT_DIM), lambda i: (i, 0)),
        out_shape=jax.ShapeDtypeStruct((N, OUT_DIM), jnp.float32),
    )(agg2, y2, degh, b2r)


def kernel(x, edge_index, W1, b1, W2, b2):
    src = edge_index[0].astype(jnp.int32)
    dst = edge_index[1].astype(jnp.int32)
    pad = EPAD - E
    src_p = jnp.concatenate([src, jnp.zeros((pad,), jnp.int32)]).reshape(NW, CH, K)
    dst_p = jnp.concatenate([dst, jnp.full((pad,), DUMMY, jnp.int32)]).reshape(NW, CH, K)

    ones16 = jnp.zeros((128 + K, 16), jnp.float32).at[128:, 0].set(1.0)
    zeros128 = jnp.zeros((128, IN_DIM), jnp.float32)
    b1r = b1.reshape(1, HID_DIM)
    b2r = b2.reshape(1, OUT_DIM)

    degh = _deg_call(dst_p, ones16)
    xs = _prep_call(x, degh)
    agg1 = _agg_call(xs, src_p, dst_p, zeros128)
    ys, y2 = _mid_call(agg1, x, degh, W1, b1r, W2)
    agg2 = _agg_call(ys, src_p, dst_p, zeros128)
    out = _final_call(agg2, y2, degh, b2r)
    return out

# --- scband reference (transcript-rebuilt; emitter-appended) ---
"""Pipeline reference for scband-faucooccurrence-gnn-24756191494588 (READ-ONLY COPY).

The authoritative reference and input builder live on the scoring server;
editing this copy changes nothing except your own understanding.
"""

import jax, jax.numpy as jnp
import numpy as np

N_NODES = 10000
N_EDGES = 320000
IN_DIM = 128
HID_DIM = 256
OUT_DIM = 128


def setup_inputs(seed: int = 0) -> dict:
    key = jax.random.key(seed)
    k1, k2, k3, k4, k5, k6 = jax.random.split(key, 6)
    x = jax.random.normal(k1, (N_NODES, IN_DIM), dtype=jnp.float32)
    edge_index = jax.random.randint(k2, (2, N_EDGES), 0, N_NODES, dtype=jnp.int64)
    # GCNConv layer 1 params (glorot-like init)
    W1 = jax.random.normal(k3, (IN_DIM, HID_DIM), dtype=jnp.float32) * (1.0 / np.sqrt(IN_DIM))
    b1 = jnp.zeros((HID_DIM,), dtype=jnp.float32)
    # GCNConv layer 2 params
    W2 = jax.random.normal(k4, (HID_DIM, OUT_DIM), dtype=jnp.float32) * (1.0 / np.sqrt(HID_DIM))
    b2 = jnp.zeros((OUT_DIM,), dtype=jnp.float32)
    return {"x": x, "edge_index": edge_index, "W1": W1, "b1": b1, "W2": W2, "b2": b2}


def _gcn_conv(x, edge_index, W, b, n_nodes):
    # PyG-style GCNConv: add self-loops, symmetric normalization, then
    # out = D^{-1/2} (A + I) D^{-1/2} (x W) + b
    src = edge_index[0]
    dst = edge_index[1]
    loop = jnp.arange(n_nodes, dtype=src.dtype)
    src = jnp.concatenate([src, loop])
    dst = jnp.concatenate([dst, loop])
    deg = jnp.zeros((n_nodes,), dtype=jnp.float32).at[dst].add(1.0)
    dinv = jnp.where(deg > 0, deg ** -0.5, 0.0)
    norm = dinv[src] * dinv[dst]
    xw = x @ W
    msg = jnp.take(xw, src, axis=0) * norm[:, None]
    out = jnp.zeros((n_nodes, W.shape[1]), dtype=jnp.float32).at[dst].add(msg)
    return out + b


def reference(x, edge_index, W1, b1, W2, b2):
    n_nodes = x.shape[0]
    h = _gcn_conv(x, edge_index, W1, b1, n_nodes)
    h = jax.nn.relu(h)
    # dropout p=0.0 (eval / identity)
    out = _gcn_conv(h, edge_index, W2, b2, n_nodes)
    return out

if __name__ == "__main__":
    import jax
    _d = setup_inputs()
    print(jax.jit(kernel)(*tuple(_d.values())))

</pallas_src>

<mosaic_0001>
#map = affine_map<(d0, d1) -> (0, 0, 0)>
#map1 = affine_map<(d0, d1) -> (0, 0)>
module attributes {stable_mosaic.version = 14 : i64} {
  func.func @_deg_body(%arg0: i32, %arg1: i32, %arg2: memref<32x80x128xi32, #tpu.memory_space<hbm>>, %arg3: memref<256x16xf32, #tpu.memory_space<hbm>>, %arg4: memref<2x10240x16xf32, #tpu.memory_space<hbm>>, %arg5: memref<80x128xi32, #tpu.memory_space<vmem>>, %arg6: memref<256x16xf32, #tpu.memory_space<vmem>>, %arg7: memref<10240x16xf32, #tpu.memory_space<vmem_shared>>) attributes {dimension_semantics = [#tpu.dimension_semantics<core_parallel>, #tpu.dimension_semantics<subcore_parallel>], iteration_bounds = array<i64: 2, 16>, scalar_prefetch = 0 : i64, scratch_operands = 3 : i64, tpu.core_type = #tpu.core_type<sc_vector_subcore>, window_params = [{transform_indices = #map}, {transform_indices = #map1}, {transform_indices = #map}]} {
    %mul3A = arith.constant 16 : i32
    %mul3A_0 = arith.muli %arg0, %mul3A : i32
    %add3A = arith.addi %mul3A_0, %arg1 : i32
    "tpu.region"() ({
      %run_scoped3A = tpu.sem_alloc : memref<!tpu.dma_semaphore, #tpu.memory_space<semaphore_mem>>
      %dma_start3A = arith.constant 0 : i32
      %dma_start3A_17 = arith.constant 0 : i32
      %dma_start3A_18 = tpu.memref_slice %arg2[%add3A, %dma_start3A, %dma_start3A_17] : memref<32x80x128xi32, #tpu.memory_space<hbm>> -> memref<1x80x128xi32, #tpu.memory_space<hbm>>
      %dma_start3A_19 = tpu.memref_squeeze %dma_start3A_18 : memref<1x80x128xi32, #tpu.memory_space<hbm>> -> memref<80x128xi32, #tpu.memory_space<hbm>>
      %dma_start3A_20 = arith.constant 0 : i32
      %dma_start3A_21 = arith.constant 0 : i32
      %dma_start3A_22 = tpu.memref_slice %arg2[%add3A, %dma_start3A_20, %dma_start3A_21] : memref<32x80x128xi32, #tpu.memory_space<hbm>> -> memref<1x80x128xi32, #tpu.memory_space<hbm>>
      %dma_start3A_23 = tpu.memref_squeeze %dma_start3A_22 : memref<1x80x128xi32, #tpu.memory_space<hbm>> -> memref<80x128xi32, #tpu.memory_space<hbm>>
      tpu.enqueue_dma source(%dma_start3A_23 : memref<80x128xi32, #tpu.memory_space<hbm>>) target(%arg5 : memref<80x128xi32, #tpu.memory_space<vmem>>) target_semaphore(%run_scoped3A : memref<!tpu.dma_semaphore, #tpu.memory_space<semaphore_mem>>)
      %dma_wait3A = arith.constant 0 : i32
      %dma_wait3A_24 = arith.constant 0 : i32
      %dma_wait3A_25 = tpu.memref_slice %arg2[%add3A, %dma_wait3A, %dma_wait3A_24] : memref<32x80x128xi32, #tpu.memory_space<hbm>> -> memref<1x80x128xi32, #tpu.memory_space<hbm>>
      %dma_wait3A_26 = tpu.memref_squeeze %dma_wait3A_25 : memref<1x80x128xi32, #tpu.memory_space<hbm>> -> memref<80x128xi32, #tpu.memory_space<hbm>>
      %dma_wait3A_27 = arith.constant 0 : i32
      %dma_wait3A_28 = arith.constant 0 : i32
      %dma_wait3A_29 = tpu.memref_slice %arg2[%add3A, %dma_wait3A_27, %dma_wait3A_28] : memref<32x80x128xi32, #tpu.memory_space<hbm>> -> memref<1x80x128xi32, #tpu.memory_space<hbm>>
      %dma_wait3A_30 = tpu.memref_squeeze %dma_wait3A_29 : memref<1x80x128xi32, #tpu.memory_space<hbm>> -> memref<80x128xi32, #tpu.memory_space<hbm>>
      tpu.wait_dma2 semaphore(%run_scoped3A : memref<!tpu.dma_semaphore, #tpu.memory_space<semaphore_mem>>) src(%dma_wait3A_30 : memref<80x128xi32, #tpu.memory_space<hbm>>) dst(%arg5 : memref<80x128xi32, #tpu.memory_space<vmem>>)
      tpu.yield
    }) : () -> ()
    "tpu.region"() ({
      %run_scoped3A = tpu.sem_alloc : memref<!tpu.dma_semaphore, #tpu.memory_space<semaphore_mem>>
      tpu.enqueue_dma source(%arg3 : memref<256x16xf32, #tpu.memory_space<hbm>>) target(%arg6 : memref<256x16xf32, #tpu.memory_space<vmem>>) target_semaphore(%run_scoped3A : memref<!tpu.dma_semaphore, #tpu.memory_space<semaphore_mem>>)
      tpu.wait_dma2 semaphore(%run_scoped3A : memref<!tpu.dma_semaphore, #tpu.memory_space<semaphore_mem>>) src(%arg3 : memref<256x16xf32, #tpu.memory_space<hbm>>) dst(%arg6 : memref<256x16xf32, #tpu.memory_space<vmem>>)
      tpu.yield
    }) : () -> ()
    %scan3A = arith.constant 0 : i32
    %scan3A_1 = arith.constant 0 : i32
    %scan3A_2 = arith.constant 5 : i32
    %scan3A_3 = arith.addi %scan3A_1, %scan3A_2 : i32
    %scan3A_4 = arith.constant 1 : i32
    scf.for %scan3A_17 = %scan3A_1 to %scan3A_3 step %scan3A_4  : i32 {
      %mul3A_18 = arith.constant 640 : i32
      %mul3A_19 = arith.muli %arg1, %mul3A_18 : i32
      %mul3A_20 = arith.constant 128 : i32
      %mul3A_21 = arith.muli %scan3A_17, %mul3A_20 : i32
      %add3A_22 = arith.addi %mul3A_19, %mul3A_21 : i32
      "tpu.region"() ({
        %run_scoped3A = tpu.sem_alloc : memref<!tpu.dma_semaphore, #tpu.memory_space<semaphore_mem>>
        %dma_start3A = arith.constant 0 : i32
        %dma_start3A_23 = arith.constant 0 : i32
        %dma_start3A_24 = tpu.memref_slice %arg6[%dma_start3A, %dma_start3A_23] : memref<256x16xf32, #tpu.memory_space<vmem>> -> memref<128x16xf32, #tpu.memory_space<vmem>>
        %dma_start3A_25 = arith.constant 0 : i32
        %dma_start3A_26 = tpu.memref_slice %arg7[%add3A_22, %dma_start3A_25] : memref<10240x16xf32, #tpu.memory_space<vmem_shared>> -> memref<128x16xf32, #tpu.memory_space<vmem_shared>>
        %dma_start3A_27 = arith.constant 0 : i32
        %dma_start3A_28 = tpu.memref_slice %arg7[%add3A_22, %dma_start3A_27] : memref<10240x16xf32, #tpu.memory_space<vmem_shared>> -> memref<128x16xf32, #tpu.memory_space<vmem_shared>>
        %dma_start3A_29 = arith.constant 0 : i32
        %dma_start3A_30 = arith.constant 0 : i32
        %dma_start3A_31 = tpu.memref_slice %arg6[%dma_start3A_29, %dma_start3A_30] : memref<256x16xf32, #tpu.memory_space<vmem>> -> memref<128x16xf32, #tpu.memory_space<vmem>>
        tpu.enqueue_dma source(%dma_start3A_31 : memref<128x16xf32, #tpu.memory_space<vmem>>) target(%dma_start3A_28 : memref<128x16xf32, #tpu.memory_space<vmem_shared>>) target_semaphore(%run_scoped3A : memref<!tpu.dma_semaphore, #tpu.memory_space<semaphore_mem>>)
        %dma_wait3A = arith.constant 0 : i32
        %dma_wait3A_32 = arith.constant 0 : i32
        %dma_wait3A_33 = tpu.memref_slice %arg6[%dma_wait3A, %dma_wait3A_32] : memref<256x16xf32, #tpu.memory_space<vmem>> -> memref<128x16xf32, #tpu.memory_space<vmem>>
        %dma_wait3A_34 = arith.constant 0 : i32
        %dma_wait3A_35 = tpu.memref_slice %arg7[%add3A_22, %dma_wait3A_34] : memref<10240x16xf32, #tpu.memory_space<vmem_shared>> -> memref<128x16xf32, #tpu.memory_space<vmem_shared>>
        %dma_wait3A_36 = arith.constant 0 : i32
        %dma_wait3A_37 = tpu.memref_slice %arg7[%add3A_22, %dma_wait3A_36] : memref<10240x16xf32, #tpu.memory_space<vmem_shared>> -> memref<128x16xf32, #tpu.memory_space<vmem_shared>>
        %dma_wait3A_38 = arith.constant 0 : i32
        %dma_wait3A_39 = arith.constant 0 : i32
        %dma_wait3A_40 = tpu.memref_slice %arg6[%dma_wait3A_38, %dma_wait3A_39] : memref<256x16xf32, #tpu.memory_space<vmem>> -> memref<128x16xf32, #tpu.memory_space<vmem>>
        tpu.wait_dma2 semaphore(%run_scoped3A : memref<!tpu.dma_semaphore, #tpu.memory_space<semaphore_mem>>) src(%dma_wait3A_40 : memref<128x16xf32, #tpu.memory_space<vmem>>) dst(%dma_wait3A_37 : memref<128x16xf32, #tpu.memory_space<vmem_shared>>)
        tpu.yield
      }) : () -> ()
    }
    %scan3A_5 = arith.constant 5 : i32
    %barrier3A = arith.constant 0 : index
    tpu.barrier barrier_id(%barrier3A)
    %scan3A_6 = arith.constant 0 : i32
    %scan3A_7 = arith.constant 0 : i32
    %scan3A_8 = arith.constant 80 : i32
    %scan3A_9 = arith.addi %scan3A_7, %scan3A_8 : i32
    %scan3A_10 = arith.constant 1 : i32
    scf.for %scan3A_17 = %scan3A_7 to %scan3A_9 step %scan3A_10  : i32 {
      "tpu.region"() ({
        %run_scoped3A = tpu.sem_alloc : memref<!tpu.dma_semaphore, #tpu.memory_space<semaphore_mem>>
        %dma_start3A = arith.constant 128 : i32
        %dma_start3A_18 = arith.constant 0 : i32
        %dma_start3A_19 = tpu.memref_slice %arg6[%dma_start3A, %dma_start3A_18] : memref<256x16xf32, #tpu.memory_space<vmem>> -> memref<128x16xf32, #tpu.memory_space<vmem>>
        %dma_start3A_20 = arith.constant 0 : i32
        %dma_start3A_21 = tpu.memref_slice %arg5[%scan3A_17, %dma_start3A_20] : memref<80x128xi32, #tpu.memory_space<vmem>> -> memref<1x128xi32, #tpu.memory_space<vmem>>
        %dma_start3A_22 = tpu.memref_squeeze %dma_start3A_21 : memref<1x128xi32, #tpu.memory_space<vmem>> -> memref<128xi32, #tpu.memory_space<vmem>>
        %dma_start3A_23 = arith.constant 0 : i32
        %dma_start3A_24 = arith.constant 0 : i32
        %dma_start3A_25 = tpu.memref_slice %arg7[%dma_start3A_23, %dma_start3A_24] : memref<10240x16xf32, #tpu.memory_space<vmem_shared>> -> memref<10240x16xf32, #tpu.memory_space<vmem_shared>>
        tpu.enqueue_indirect_dma source(%dma_start3A_19 : memref<128x16xf32, #tpu.memory_space<vmem>>) target(%dma_start3A_25 : memref<10240x16xf32, #tpu.memory_space<vmem_shared>>) offsets(%dma_start3A_22 : memref<128xi32, #tpu.memory_space<vmem>>) semaphore(%run_scoped3A : memref<!tpu.dma_semaphore, #tpu.memory_space<semaphore_mem>>) {add = true}
        %dma_wait3A = arith.constant 128 : i32
        %dma_wait3A_26 = arith.constant 0 : i32
        %dma_wait3A_27 = tpu.memref_slice %arg6[%dma_wait3A, %dma_wait3A_26] : memref<256x16xf32, #tpu.memory_space<vmem>> -> memref<128x16xf32, #tpu.memory_space<vmem>>
        %dma_wait3A_28 = arith.constant 0 : i32
        %dma_wait3A_29 = tpu.memref_slice %arg5[%scan3A_17, %dma_wait3A_28] : memref<80x128xi32, #tpu.memory_space<vmem>> -> memref<1x128xi32, #tpu.memory_space<vmem>>
        %dma_wait3A_30 = tpu.memref_squeeze %dma_wait3A_29 : memref<1x128xi32, #tpu.memory_space<vmem>> -> memref<128xi32, #tpu.memory_space<vmem>>
        %dma_wait3A_31 = arith.constant 0 : i32
        %dma_wait3A_32 = arith.constant 0 : i32
        %dma_wait3A_33 = tpu.memref_slice %arg7[%dma_wait3A_31, %dma_wait3A_32] : memref<10240x16xf32, #tpu.memory_space<vmem_shared>> -> memref<10240x16xf32, #tpu.memory_space<vmem_shared>>
        tpu.wait_indirect_dma semaphore(%run_scoped3A : memref<!tpu.dma_semaphore, #tpu.memory_space<semaphore_mem>>) src(%dma_wait3A_27 : memref<128x16xf32, #tpu.memory_space<vmem>>) dst(%dma_wait3A_33 : memref<10240x16xf32, #tpu.memory_space<vmem_shared>>)
        tpu.yield
      }) : () -> ()
    }
    %scan3A_11 = arith.constant 80 : i32
    %barrier3A_12 = arith.constant 0 : index
    tpu.barrier barrier_id(%barrier3A_12)
    %mul3A_13 = arith.constant 640 : i32
    %mul3A_14 = arith.muli %arg1, %mul3A_13 : i32
    %mul3A_15 = arith.constant 640 : i32
    %mul3A_16 = arith.muli %arg1, %mul3A_15 : i32
    "tpu.region"() ({
      %run_scoped3A = tpu.sem_alloc : memref<!tpu.dma_semaphore, #tpu.memory_space<semaphore_mem>>
      %dma_start3A = arith.constant 0 : i32
      %dma_start3A_17 = tpu.memref_slice %arg4[%arg0, %mul3A_16, %dma_start3A] : memref<2x10240x16xf32, #tpu.memory_space<hbm>> -> memref<1x640x16xf32, #tpu.memory_space<hbm>>
      %dma_start3A_18 = tpu.memref_squeeze %dma_start3A_17 : memref<1x640x16xf32, #tpu.memory_space<hbm>> -> memref<640x16xf32, #tpu.memory_space<hbm>>
      %dma_start3A_19 = arith.constant 0 : i32
      %dma_start3A_20 = tpu.memref_slice %arg7[%mul3A_14, %dma_start3A_19] : memref<10240x16xf32, #tpu.memory_space<vmem_shared>> -> memref<640x16xf32, #tpu.memory_space<vmem_shared>>
      tpu.enqueue_dma source(%dma_start3A_20 : memref<640x16xf32, #tpu.memory_space<vmem_shared>>) target(%dma_start3A_18 : memref<640x16xf32, #tpu.memory_space<hbm>>) target_semaphore(%run_scoped3A : memref<!tpu.dma_semaphore, #tpu.memory_space<semaphore_mem>>)
      %dma_wait3A = arith.constant 0 : i32
      %dma_wait3A_21 = tpu.memref_slice %arg4[%arg0, %mul3A_16, %dma_wait3A] : memref<2x10240x16xf32, #tpu.memory_space<hbm>> -> memref<1x640x16xf32, #tpu.memory_space<hbm>>
      %dma_wait3A_22 = tpu.memref_squeeze %dma_wait3A_21 : memref<1x640x16xf32, #tpu.memory_space<hbm>> -> memref<640x16xf32, #tpu.memory_space<hbm>>
      %dma_wait3A_23 = arith.constant 0 : i32
      %dma_wait3A_24 = tpu.memref_slice %arg7[%mul3A_14, %dma_wait3A_23] : memref<10240x16xf32, #tpu.memory_space<vmem_shared>> -> memref<640x16xf32, #tpu.memory_space<vmem_shared>>
      tpu.wait_dma2 semaphore(%run_scoped3A : memref<!tpu.dma_semaphore, #tpu.memory_space<semaphore_mem>>) src(%dma_wait3A_24 : memref<640x16xf32, #tpu.memory_space<vmem_shared>>) dst(%dma_wait3A_22 : memref<640x16xf32, #tpu.memory_space<hbm>>)
      tpu.yield
    }) : () -> ()
    return
  }
}

</mosaic_0001>

<sc_bundles>
// kernel: _deg_call.3.cloned.1.call-start
scs
__scs_entry_jumppad:
0x0: {  	(pc) =	sbr.rel $0x88, $3  }
0x1: {  	(tag) =	ssettag $0x0;
	lr =	simm.s32 $0x1  }
0x2: {  	[smem:$0x3F9F] =	sst lr;
	_ =	strace $0xD0000000  }
0x3: {  	_ = 	snop  }
0x4: {  	_ = 	snop  }
0x5: {  	_ = 	snop  }
0x6: {  	_ = 	snop  }
0x7: {  	_ = 	snop  }
__scs_overlays_trampoline_lowered:
0x8: {  	[smem:$0x3FAE] =	sst s0  }
0x9: {  	[smem:$0x3FAF] =	sst s1  }
0xa: {  	[smem:$0x3FB0] =	sst s2  }
0xb: {  	[smem:$0x3FB1] =	sst s3  }
0xc: {  	[smem:$0x3FB2] =	sst s4  }
0xd: {  	[smem:$0x3FB3] =	sst s5  }
0xe: {  	[smem:$0x3FB4] =	sst s6  }
0xf: {  	[smem:$0x3FB5] =	sst s7  }
0x10: {  	[smem:$0x3FB6] =	sst s8  }
0x11: {  	[smem:$0x3FB7] =	sst s9;
	s0 =	simm.s32 @!p0 $0x0  }
0x12: {  	s1 =	sld [smem:$0x3F9D];
	s0 =	simm.s32 @p0 $0x1  }
0x13: {  	[smem:$0x3FB8] =	sst s0;
	s0 =	simm.s32 @!p1 $0x0  }
0x14: {  	s2 =	sld [smem:$0x3F9C];
	s0 =	simm.s32 @p1 $0x1  }
0x15: {  	[smem:$0x3FB9] =	sst s0;
	s0 =	simm.s32 @!p2 $0x0  }
0x16: {  	s3 =	sld [smem:$0x3FDB];
	s0 =	simm.s32 @p2 $0x1  }
0x17: {  	s4 =	simm.s32 $0x1BF5;
	[smem:$0x3FBB] =	sst s0  }
0x18: {  	s0 =	sld [smem:$0x3F9E];
	_ =	swait.ge [sflag:s4], $0x0  }
0x19: {  	s7 =	sld [smem:$0x3F9F]  }
0x1a: {  	s8 =	sadd.s32 $0xFFFFE003, lr  }
0x1b: {  	s9 =	sadd.s32 $0xFFFFFEF7, lr;
	s5 =	simm.s32 $0xFFFFFFFF;
	p2 =	slt.u32 s8, $0xFFFFF086  }
0x1c: {  	p1 =	slt.u32 s9, $0xF7A;
	s5 =	simm.s32 @!p2 $0x0  }
0x1d: {  	s5 =	simm.s32 @p1 $0x1;
	p0 =	seq.s32 s7, s2  }
0x1e: {  	s7 =	smul.u32 @!p0 $0xF7A, s2;
	p2 =	seq.s32 @!p0 s5, $0x0  }
0x1f: {  	s9 =	smul.u32 $0xF7A, s1;
	s8 =	simm.s32 @!p0 $0x1BF5;
	p2 =	por !p2, p0  }
0x20: {  	[sflag:s8] =	ssyncset.s32 @!p0 $0xFFFFF086;
	s6 =	sadd.s32 @!p0 s3, s7;
	s7 =	simm.s32 @!p0 $0x108  }
0x21: {  	s3 =	sadd.s32 s3, s9;
	s6 =	sadd.s32 @!p0 $0x88, s6;
	s7 =	simm.s32 @p2 $0x1082  }
0x22: {  	[simem:s7], [sflag:s8] =	dma.local @!p0 [hbm:s6], $0xF7A  }
0x23: {  	s9 =	sor.u32 $0xD0000000, s2;
	s6 =	simm.s32 $0x108;
	_ =	swait.ge @!p0 [sflag:s8], $0x0  }
0x24: {  	s3 =	sadd.s32 $0x88, s3;
	s6 =	simm.s32 @!p1 $0x1082;
	[sflag:s4] =	ssyncset.s32 $0xFFFFF086  }
0x25: {  	[simem:s6], [sflag:s4] =	dma.local [hbm:s3], $0xF7A  }
0x26: {  	[smem:$0x3F9F] =	sst s1;
	(tag) =	ssettag s2;
	_ =	strace s9  }
0x27: {  	s1 =	sld [smem:$0x3FAF]  }
0x28: {  	s2 =	sld [smem:$0x3FB0]  }
0x29: {  	s4 =	sld [smem:$0x3FB2]  }
0x2a: {  	p0 =	seq.s32 s5, $0x0;
	s5 =	sld [smem:$0x3FB3]  }
0x2b: {  	s6 =	sld [smem:$0x3FB4]  }
0x2c: {  	s7 =	sld [smem:$0x3FB5]  }
0x2d: {  	s3 =	simm.s32 $0x108;
	s8 =	sld [smem:$0x3FB6]  }
0x2e: {  	s3 =	simm.s32 @!p0 $0x1082;
	s9 =	sld [smem:$0x3FB7]  }
0x2f: {  	lr =	sadd.s32 s0, s3;
	s0 =	sld [smem:$0x3FAE]  }
0x30: {  	s3 =	sld [smem:$0x3FB1]  }
0x31: {  	[smem:$0x3FBA] =	sst s10  }
0x32: {  	s10 =	sld [smem:$0x3FB8];
	_ =	sdelay $0x3  }
0x33: {  	p0 =	seq.s32 s10, $0x1;
	s10 =	sld [smem:$0x3FBA];
	_ =	sdelay $0x3  }
0x34: {  	[smem:$0x3FBA] =	sst s10  }
0x35: {  	s10 =	sld [smem:$0x3FB9];
	_ =	sdelay $0x3  }
0x36: {  	p1 =	seq.s32 s10, $0x1;
	s10 =	sld [smem:$0x3FBA];
	_ =	sdelay $0x3  }
0x37: {  	[smem:$0x3FBA] =	sst s10  }
0x38: {  	s10 =	sld [smem:$0x3FBB]  }
0x39: {  	_ = 	snop;
	(pc) =	sbr.ind lr, $3  }
0x3a: {  	_ = 	snop  }
0x3b: {  	_ = 	snop  }
0x3c: {  	p2 =	seq.s32 s10, $0x1;
	s10 =	sld [smem:$0x3FBA]  }
0x3d: {  	_ =	shalt  }
0x3e: {  	_ =	shalt  }
0x3f: {  	_ =	shalt  }
0x40: {  	_ =	shalt  }
0x41: {  	_ =	shalt  }
0x42: {  	_ =	shalt  }
0x43: {  	_ =	shalt  }
0x44: {  	_ =	shalt  }
0x45: {  	_ =	shalt  }
0x46: {  	_ =	shalt  }
0x47: {  	_ =	shalt  }
0x48: {  	_ =	shalt  }
0x49: {  	_ =	shalt  }
0x4a: {  	_ =	shalt  }
0x4b: {  	_ =	shalt  }
0x4c: {  	_ =	shalt  }
0x4d: {  	_ =	shalt  }
0x4e: {  	_ =	shalt  }
0x4f: {  	_ =	shalt  }
0x50: {  	_ =	shalt  }
0x51: {  	_ =	shalt  }
0x52: {  	_ =	shalt  }
0x53: {  	_ =	shalt  }
0x54: {  	_ =	shalt  }
0x55: {  	_ =	shalt  }
0x56: {  	_ =	shalt  }
0x57: {  	_ =	shalt  }
0x58: {  	_ =	shalt  }
0x59: {  	_ =	shalt  }
0x5a: {  	_ =	shalt  }
0x5b: {  	_ =	shalt  }
0x5c: {  	_ =	shalt  }
0x5d: {  	_ =	shalt  }
0x5e: {  	_ =	shalt  }
0x5f: {  	_ =	shalt  }
0x60: {  	_ =	shalt  }
0x61: {  	_ =	shalt  }
0x62: {  	_ =	shalt  }
0x63: {  	_ =	shalt  }
0x64: {  	_ =	shalt  }
0x65: {  	_ =	shalt  }
0x66: {  	_ =	shalt  }
0x67: {  	_ =	shalt  }
0x68: {  	_ =	shalt  }
0x69: {  	_ =	shalt  }
0x6a: {  	_ =	shalt  }
0x6b: {  	_ =	shalt  }
0x6c: {  	_ =	shalt  }
0x6d: {  	_ =	shalt  }
0x6e: {  	_ =	shalt  }
0x6f: {  	_ =	shalt  }
0x70: {  	_ =	shalt  }
0x71: {  	_ =	shalt  }
0x72: {  	_ =	shalt  }
0x73: {  	_ =	shalt  }
0x74: {  	_ =	shalt  }
0x75: {  	_ =	shalt  }
0x76: {  	_ =	shalt  }
0x77: {  	_ =	shalt  }
0x78: {  	_ =	shalt  }
0x79: {  	_ =	shalt  }
0x7a: {  	_ =	shalt  }
0x7b: {  	_ =	shalt  }
0x7c: {  	_ =	shalt  }
0x7d: {  	_ =	shalt  }
0x7e: {  	_ =	shalt  }
0x7f: {  	_ =	shalt  }
0x80: {  	_ =	shalt  }
0x81: {  	_ =	shalt  }
0x82: {  	_ =	shalt  }
0x83: {  	_ =	shalt  }
0x84: {  	_ =	shalt  }
0x85: {  	_ =	shalt  }
0x86: {  	_ =	shalt  }
0x87: {  	_ =	shalt  }
.Lfunc_end0:
.L_simem_size_0:
called_computation_lowered:
.L_overlay_start_0:
0x88: {  	s2 =	sld [smem:$0x3FD9]  }
0x89: {  	s3 =	sld [smem:$0x3FFE];
	_ =	sdelay $0x1  }
0x8a: {  	s1 =	srdreg.scid  }
0x8b: {  	s0 =	sand.u32 $0x1, s1  }
0x8c: {  	s17 =	sshll.u32 s0, $0xA;
	s2 =	sadd.s32 s3, s2  }
0x8d: {  	s2 =	sadd.s32 s2, s17  }
0x8e: {  	[smem:$0x3FC6] =	sst s2  }
0x8f: {  	_ = 	snop  }
0x90: {  	s2 =	sld [smem:$0x3FC9]  }
0x91: {  	s18 =	sld [smem:$0x3FD0];
	(tm) =	ssettm $0x1  }
0x92: {  	s4 =	sld [smem:$0x3FFB];
	_ =	sdelay $0x3  }
0x93: {  	_ =	strace s4  }
0x94: {  	s4 =	sld [smem:$0x3FFC];
	_ =	sdelay $0x3  }
0x95: {  	_ =	strace s4  }
0x96: {  	s4 =	sld [smem:$0x3FFD];
	_ =	sdelay $0x3  }
0x97: {  	_ =	strace s4  }
0x98: {  	_ =	strace $0x8FFFFFFF  }
0x99: {  	s19 =	sld [smem:$0x3FDB];
	_ =	sdelay $0x1  }
0x9a: {  	s5 =	simm.s32 $_scs_section_size  }
0x9b: {  	s6 =	simm.s32 $_size__tile_overlayer_lowered;
	s7 =	simm.s32 $_tile_overlayer_lowered  }
0x9c: {  	s22 =	simm.s32 $0x1BFF;
	s21 =	sshll.u32 s7, $0x1;
	s4 =	sadd.s32 s5, s19  }
0x9d: {  	s8 =	simm.s32 $0x0;
	s20 =	sshll.u32 s6, $0x1;
	s6 =	sadd.s32 s21, s4  }
0x9e: {  	[timem:s8], [sflag:s22] =	dma.local [hbm:s6], s20  }
0x9f: {  	_ =	swait.ge [sflag:s22], s20  }
0xa0: {  	s5 =	ssub.s32 $0x0, s20;
	[sflag:s22] =	ssyncset.done $0x0  }
0xa1: {  	[sflag:s22] =	ssyncadd.s32 s5;
	_ =	sdelay $0x1  }
0xa2: {  	s23 =	simm.s32 $0x1B8B  }
0xa3: {  	_ =	swait.ge [sflag:s23], $0x1  }
0xa4: {  	[sflag:s23] =	ssyncset.done $0x0  }
0xa5: {  	s25 =	simm.s32 $0x1B8E;
	s24 =	sld [smem:$0x3FFE];
	[sflag:s23] =	ssyncadd.s32 $0xFFFFFFFF  }
0xa6: {  	s26 =	simm.s32 $execute0_lowered;
	[smem:$0x3FD2] =	sst s25  }
0xa7: {  	s6 =	sshll.u32 s26, $0x1;
	_ =	strace $0x80000046;
	[dreg:$0x1] =	wrdreg $0xFFFFFFFF  }
0xa8: {  	s28 =	simm.s32 $_size_execute0_lowered;
	s4 =	sadd.s32 s4, s6;
	[dreg:$0x0] =	wrdreg $0x0  }
0xa9: {  	s6 =	sshll.u32 s28, $0x1;
	[dreg:$0x2] =	wrdreg s4  }
0xaa: {  	[dreg:$0x3] =	wrdreg s6  }
0xab: {  	[dreg:$0x4] =	wrdreg $0xC0  }
0xac: {  	_ =	task [dreg:s8], $0x5FFFF  }
0xad: {  	[dreg:$0x1] =	wrdreg $0xFFFFFFFF  }
0xae: {  	[dreg:$0x0] =	wrdreg $0x60  }
0xaf: {  	[dreg:$0x2] =	wrdreg s2  }
0xb0: {  	[dreg:$0x3] =	wrdreg s18  }
0xb1: {  	[dreg:$0x4] =	wrdreg s24  }
0xb2: {  	[dreg:$0x5] =	wrdreg $0xA8000  }
0xb3: {  	[dreg:$0x6] =	wrdreg $0x9  }
0xb4: {  	_ =	task.clear_ibuf [dreg:s8], $0x7FFFF;
	_ =	strace $0x90000046  }
0xb5: {  	s29 =	simm.s32 $0x9;
	_ =	strace $0x80000048  }
0xb6: {  	_ =	swait.ge [sflag:s29], $0x1  }
0xb7: {  	[sflag:s29] =	ssyncadd.s32 $0xFFFFFFFF  }
0xb8: {  	_ =	strace $0x90000048  }
0xb9: {  	_ =	sfence  }
0xba: {  	s30 =	sld [smem:$0x0];
	_ =	sdelay $0x2  }
0xbb: {  	s31 =	sshll.u32 s1, $0xD;
	s1 =	sshrl.u32 s1, $0x2  }
0xbc: {  	s3 =	sand.u32 $0x4000, s31;
	s1 =	sadd.s32 s1, s30  }
0xbd: {  	s0 =	sor.u32 s3, s0;
	s1 =	sshll.u32 s1, $0x11  }
0xbe: {  	s0 =	sor.u32 s1, s0  }
0xbf: {  	s0 =	sadd.s32 $0x8F2B, s0  }
0xc0: {  	[sflag:s0] =	ssyncadd.remote.s32 $0x1  }
0xc1: {  	_ =	sfence.sel $0xFFFF  }
0xc2: {  	[dreg:$0x0] =	wrdreg $0xFFFFFFFF;
	(pc) =	sbr.abs _section_cstart, $3  }
0xc3: {  	[dreg:$0x1] =	wrdreg $0xFFFFFFFF  }
0xc4: {  	_ =	task.clear_ibuf [dreg:s8], $0x2FFFF;
	_ =	strace $0x9FFFFFFF  }
0xc5: {  	(tm) =	ssettm $0x7FFFFFFF  }
tec
execute0_lowered:
.L_overlay_start_1:
0x0: {  	(tag) =	ssettag $0x1  }
0x1: {  	s5 =	rddreg [dreg:$0x0]  }
0x2: {  	s1 =	rddreg [dreg:$0x1]  }
0x3: {  	s6 =	rddreg [dreg:$0x2]  }
0x4: {  	s3 =	rddreg [dreg:$0x3]  }
0x5: {  	s0 =	srdreg.scid;
	s2 =	rddreg [dreg:$0x4];
	s4 =	simm.s32 $0x0  }
0x6: {  	s13 =	simm.s32 $0x1;
	s14 =	simm.s32 $0x2800;
	s15 =	simm.s32 $0x80  }
0x7: {  	s16 =	simm.s32 $0x6800;
	s7 =	sand.u32 $0x1, s0;
	s0 =	stileid.u32  }
0x8: {  	s19 =	simm.s32 $0x0;
	[smem:$0x7FF] =	sst s4;
	s8 =	smul.u32 $0x140000, s7  }
0x9: {  	s9 =	smul.u32 $0x14000, s0;
	s10 =	sshll.u32 s7, $0x4;
	s7 =	ssub.s32 $0x2, s7  }
0xa: {  	s29 =	smul.u32 $0x50000, s0;
	_ =	strace $0x80000047;
	s17 =	sshll.u32 s0, $0x6  }
0xb: {  	s10 =	sor.u32 s0, s10;
	s30 =	sshrl.u32 s7, $0x1;
	s8 =	sadd.s32 s9, s8  }
0xc: {  	s17 =	sor.u32 $0x1C01, s17;
	s28 =	smul.u32 $0x500, s10;
	s8 =	sshrl.u32 s8, $0x3  }
0xd: {  	s11 =	ssub.s32 s7, s30;
	s31 =	sshrl.u32 s29, $0x2;
	s8 =	sadd.s32 s8, s6  }
0xe: {  	s5 =	sadd.s32 s5, s28;
	s6 =	sadd.s32 s31, s3;
	s7 =	sadd.s32 $0x400, s8  }
0xf: {  	s8 =	smax.u32 s11, $0x1;
	s9 =	sadd.s32 $0x4000, s6;
	s10 =	sadd.s32 $0x8000, s6  }
0x10: {  	s11 =	sadd.s32 $0xC000, s6;
	s12 =	sadd.s32 $0x10000, s6;
	s18 =	sshrl.u32 s6, $0x3  }
.LBB2_1:
0x11: {  	[tilespmem:s4], [sflag:$0x1] =	stream.linear.gather [hbm4b:s5+s4], $0x2800, $0x38;
	[tilespmem:$0xD000] =	vst v63  }
0x12: {  	_ =	swait.ge [sflag:s13], $0x2800  }
0x13: {  	[sflag:s13] =	ssyncset.done $0x0  }
0x14: {  	[sflag:s13] =	ssyncadd.s32 $0xFFFFD800  }
0x15: {  	[tilespmem:s14], [sflag:$0x1] =	stream.linear.gather [hbm4b:s1+s4], $0x8000, $0x38;
	[tilespmem:$0xD000] =	vst v63  }
0x16: {  	_ =	swait.ge [sflag:s13], $0x8000  }
0x17: {  	[sflag:s13] =	ssyncset.done $0x0  }
0x18: {  	[sflag:s13] =	ssyncadd.s32 $0xFFFF8000  }
0x19: {  	[spmem:s6] =	stream.linear.scatter [tilespmem:s14], [sflag:$0x1], $0x4000, $0x38;
	[tilespmem:$0xD000] =	vst v63  }
0x1a: {  	_ =	swait.ge [sflag:s13], $0x4000  }
0x1b: {  	[sflag:s13] =	ssyncset.done $0x0  }
0x1c: {  	[sflag:s13] =	ssyncadd.s32 $0xFFFFC000  }
0x1d: {  	[spmem:s9] =	stream.linear.scatter [tilespmem:s14], [sflag:$0x1], $0x4000, $0x38;
	[tilespmem:$0xD000] =	vst v63  }
0x1e: {  	_ =	swait.ge [sflag:s13], $0x4000  }
0x1f: {  	[sflag:s13] =	ssyncset.done $0x0  }
0x20: {  	[sflag:s13] =	ssyncadd.s32 $0xFFFFC000  }
0x21: {  	[spmem:s10] =	stream.linear.scatter [tilespmem:s14], [sflag:$0x1], $0x4000, $0x38;
	[tilespmem:$0xD000] =	vst v63  }
0x22: {  	_ =	swait.ge [sflag:s13], $0x4000  }
0x23: {  	[sflag:s13] =	ssyncset.done $0x0  }
0x24: {  	[sflag:s13] =	ssyncadd.s32 $0xFFFFC000  }
0x25: {  	[spmem:s11] =	stream.linear.scatter [tilespmem:s14], [sflag:$0x1], $0x4000, $0x38;
	[tilespmem:$0xD000] =	vst v63  }
0x26: {  	_ =	swait.ge [sflag:s13], $0x4000  }
0x27: {  	[sflag:s13] =	ssyncset.done $0x0  }
0x28: {  	[sflag:s13] =	ssyncadd.s32 $0xFFFFC000  }
0x29: {  	[spmem:s12] =	stream.linear.scatter [tilespmem:s14], [sflag:$0x1], $0x4000, $0x38;
	[tilespmem:$0xD000] =	vst v63  }
0x2a: {  	_ =	swait.ge [sflag:s13], $0x4000  }
0x2b: {  	[sflag:s13] =	ssyncset.done $0x0  }
0x2c: {  	[sflag:s13] =	ssyncadd.s32 $0xFFFFC000  }
0x2d: {  	s20 =	simm.s32 $0x0;
	[bflag:$0x0] =	sbarrier.arrive $0xFFFF  }
0x2e: {  	[spmem:s3] =	stream.indirect.scatter.add.f32 [tilespmem:s16], [sflag:$0x1], $0x10, s20, s15, $0xb8;
	[tilespmem:$0xD000] =	vst v63  }
0x2f: {  	_ =	swait.ge [sflag:s13], $0x800  }
0x30: {  	s20 =	simm.s32 $0x200;
	[sflag:s13] =	ssyncset.done $0x0  }
.LBB2_2:
0x31: {  	s21 =	sshra.s32 s20, $0x2;
	[sflag:s13] =	ssyncadd.s32 $0xFFFFF800;
	p0 =	sne.s32 s20, $0x9E00  }
0x32: {  	[spmem:s3] =	stream.indirect.scatter.add.f32 [tilespmem:s16], [sflag:$0x1], $0x10, s21, s15, $0xb8;
	[tilespmem:$0xD000] =	vst v63  }
.Ltmp0:
0x33: {  	_ = 	snop;
	(pc) =	sbr.rel @p0 .LBB2_2-.Ltmp0, $4  }
0x34: {  	_ = 	snop  }
0x35: {  	s20 =	sadd.s32 $0x200, s20  }
0x36: {  	_ =	swait.ge [sflag:s13], $0x800  }
0x37: {  	[sflag:s13] =	ssyncset.done $0x0  }
0x38: {  	s19 =	sadd.s32 $0x1, s19  }
0x39: {  	[sflag:s13] =	ssyncadd.s32 $0xFFFFF800;
	p0 =	sne.s32 s19, s8  }
.Ltmp1:
0x3a: {  	[bflag:$0x0] =	sbarrier.arrive $0xFFFF;
	(pc) =	sbr.rel @p0 .LBB2_1-.Ltmp1, $4  }
0x3b: {  	[hbm:s7], [sflag:s17] =	dma.local [spmem:s18], $0x2800  }
0x3c: {  	_ =	swait.ge [sflag:s13], $0x2800  }
0x3d: {  	[sflag:s13] =	ssyncset.done $0x0  }
0x3e: {  	[sflag:s13] =	ssyncadd.s32 $0xFFFFD800  }
0x3f: {  	_ =	sfence.sel $0x180000  }
0x40: {  	[bflag:$0x0] =	sbarrier.arrive $0xFFFF  }
0x41: {  	p0 =	sne.s32 s0, $0x0;
	_ =	strace $0x90000047  }
0x42: {  	s0 =	sadd.s32 @!p0 $0x100000, s2;
	[bflag:$0x2] =	sbarrier.arrive $0xFFFF  }
0x43: {  	[sflag:s0] =	ssyncadd.tile.s32 @!p0 $0x1;
	_ =	shalt  }
.Lfunc_end2:
_tile_overlayer_lowered:
.L_overlay_start_2:
0x44: {  	(tag) =	ssettag $0x2  }
0x45: {  	s0 =	rddreg [dreg:$0x0];
	s2 =	stileid.u32  }
0x46: {  	s1 =	rddreg [dreg:$0x1];
	p0 =	sne.s32 s2, $0x0  }
0x47: {  	s3 =	rddreg [dreg:$0x2];
	[bflag:$0x3] =	sbarrier.arrive $0xFFFF;
	s2 =	simm.s32 @!p0 $0x1C01  }
0x48: {  	[timem:s3], [sflag:s2] =	dma.local @!p0 [hbm:s0], s1  }
0x49: {  	s0 =	simm.s32 @!p0 $0x1  }
0x4a: {  	_ =	swait.ge @!p0 [sflag:s0], s1  }
0x4b: {  	s1 =	ssub.s32 @!p0 $0x0, s1;
	[sflag:s0] =	ssyncset.done @!p0 $0x0  }
0x4c: {  	[sflag:s0] =	ssyncadd.s32 @!p0 s1  }
0x4d: {  	[bflag:$0x3] =	sbarrier.arrive $0xFFFF  }
0x4e: {  	_ =	shalt  }

</sc_bundles>
